<compile_context>
chip_gen: v7x
topology: tpu7x:2x2x1
jax: 0.10.2.dev20260603
libtpu: 0.0.44.dev20260713+nightly
codegen_flags: <defaults>
</compile_context>

<pallas_src>
import jax
import jax.numpy as jnp
from jax import lax
from jax.experimental import pallas as pl
from jax.experimental.pallas import tpu as pltpu, tpu_sc as plsc

B = 128
V = 65536
CODE_LEN = 16
NW = 16
GROUP = 16
LEVELS_PER_W = CODE_LEN // 2
NROW = B * V // 128


def _softplus(u):
    a = jnp.abs(u)
    e = jnp.exp(-a)
    t = e / (2.0 + e)
    t2 = t * t
    poly = 1.0 + t2 * (1.0 / 3.0 + t2 * (1.0 / 5.0 + t2 * (
        1.0 / 7.0 + t2 * (1.0 / 9.0 + t2 * (1.0 / 11.0)))))
    return jnp.maximum(u, 0.0) + 2.0 * t * poly


def _body(scores_hbm, ci_hbm, out_hbm, ci_v, idx_v, col_v, vals_v, acc_v, sem):
    wid = lax.axis_index("s")
    g = wid // 2
    l = wid % 2

    pltpu.sync_copy(ci_hbm.at[pl.ds(g * GROUP, GROUP)], ci_v)
    c = ci_v[...]

    lane = lax.iota(jnp.int32, GROUP)
    b = g * GROUP + lane
    row_b = ((b >> 3) << 12) + (b & 7)

    def build(j, _):
        jj = l * LEVELS_PER_W + j
        q = (c >> (CODE_LEN - jj)) + (1 << jj) - 1
        idx_v[pl.ds(GROUP * j, GROUP)] = row_b + ((q >> 7) << 3)
        col_v[pl.ds(GROUP * j, GROUP)] = q & 127
        return 0

    lax.fori_loop(0, LEVELS_PER_W, build, 0)

    rows = scores_hbm.reshape(NROW, 128)
    pltpu.async_copy(rows.at[idx_v], vals_v, sem).wait()

    def accum(j, acc):
        jj = l * LEVELS_PER_W + j
        s = plsc.load_gather(
            vals_v, [GROUP * j + lane, col_v[pl.ds(GROUP * j, GROUP)]])
        bit = (c >> (CODE_LEN - 1 - jj)) & 1
        u = jnp.where(bit == 1, s, -s)
        return acc + _softplus(u)

    acc_v[...] = lax.fori_loop(
        0, LEVELS_PER_W, accum, jnp.zeros((GROUP,), jnp.float32))

    pltpu.sync_copy(acc_v, out_hbm.at[wid])


def _reduce_body(p_hbm, o_ref, p_vmem, sem):
    copy = pltpu.make_async_copy(p_hbm, p_vmem, sem)
    copy.start()
    copy.wait()
    o_ref[...] = jnp.sum(p_vmem[...], keepdims=True) * (1.0 / B)


def kernel(scores, class_indices):
    mesh = plsc.VectorSubcoreMesh(
        core_axis_name="c", subcore_axis_name="s", num_cores=1)
    run = pl.kernel(
        _body,
        out_type=jax.ShapeDtypeStruct((NW, GROUP), jnp.float32),
        mesh=mesh,
        compiler_params=pltpu.CompilerParams(needs_layout_passes=False),
        scratch_types=[
            pltpu.VMEM((GROUP,), jnp.int32),
            pltpu.VMEM((GROUP * LEVELS_PER_W,), jnp.int32),
            pltpu.VMEM((GROUP * LEVELS_PER_W,), jnp.int32),
            pltpu.VMEM((GROUP * LEVELS_PER_W, 128), jnp.float32),
            pltpu.VMEM((GROUP,), jnp.float32),
            pltpu.SemaphoreType.DMA,
        ],
    )
    tiled = scores.reshape(16, 8, 512, 128).transpose(0, 2, 1, 3)
    partials = run(tiled, class_indices)

    reduce = pl.pallas_call(
        _reduce_body,
        out_shape=jax.ShapeDtypeStruct((1, 1), jnp.float32),
        in_specs=[pl.BlockSpec(memory_space=pltpu.HBM)],
        scratch_shapes=[
            pltpu.VMEM((NW, GROUP), jnp.float32),
            pltpu.SemaphoreType.DMA,
        ],
    )
    return reduce(partials)[0, 0]

# --- scband reference (transcript-rebuilt; emitter-appended) ---
"""Pipeline reference for scband-hierarchical-softmax-mapping-module-43928925504269 (READ-ONLY COPY).

The authoritative reference and input builder live on the scoring server;
editing this copy changes nothing except your own understanding.
"""

import jax, jax.numpy as jnp
import numpy as np
import math


def setup_inputs(seed: int = 0) -> dict:
    key = jax.random.key(seed)
    k1, k2 = jax.random.split(key)
    scores = jax.random.normal(k1, (128, 65536), dtype=jnp.float32)
    class_indices = jax.random.randint(k2, (128,), 0, 65536, dtype=jnp.int32)
    return {"scores": scores, "class_indices": class_indices}


def reference(scores, class_indices):
    batch_size, dict_size = scores.shape
    code_len = math.ceil(math.log(dict_size, 2))
    pad_one = jnp.full((batch_size, 1), 100.0, dtype=scores.dtype)
    pad_zer = jnp.full((batch_size, 1), -100.0, dtype=scores.dtype)
    padded_scores = jnp.concatenate([pad_one, pad_zer, scores], axis=1)
    cur = jnp.full(class_indices.shape, 2, dtype=class_indices.dtype)
    lefts = []
    rights = []
    for k in range(code_len - 1, -1, -1):
        bit = (class_indices >> k) & 1
        is_left = bit == 0
        lefts.append(jnp.where(is_left, cur, 0))
        rights.append(jnp.where(is_left, 1, cur))
        cur = jnp.where(is_left, 2 * cur - 1, 2 * cur)
    left_t = jnp.stack(lefts, axis=1)   # [batch, code_len]
    right_t = jnp.stack(rights, axis=1)  # [batch, code_len]
    left_part = jax.nn.sigmoid(jnp.take_along_axis(padded_scores, left_t, axis=1))
    right_part = 1.0 - jax.nn.sigmoid(jnp.take_along_axis(padded_scores, right_t, axis=1))
    left_p = jnp.prod(left_part, axis=1)
    right_p = jnp.prod(right_part, axis=1)
    probs = left_p * right_p
    return jnp.sum(-jnp.log(probs)) / batch_size

if __name__ == "__main__":
    import jax
    _d = setup_inputs()
    print(jax.jit(kernel)(*tuple(_d.values())))

</pallas_src>

<mosaic_0001>
#map = affine_map<(d0, d1) -> (0, 0, 0, 0)>
#map1 = affine_map<(d0, d1) -> (0)>
#map2 = affine_map<(d0, d1) -> (0, 0)>
module attributes {stable_mosaic.version = 14 : i64} {
  func.func @_body(%arg0: i32, %arg1: i32, %arg2: memref<16x512x8x128xf32, #tpu.memory_space<hbm>>, %arg3: memref<128xi32, #tpu.memory_space<hbm>>, %arg4: memref<16x16xf32, #tpu.memory_space<hbm>>, %arg5: memref<16xi32, #tpu.memory_space<vmem>>, %arg6: memref<128xi32, #tpu.memory_space<vmem>>, %arg7: memref<128xi32, #tpu.memory_space<vmem>>, %arg8: memref<128x128xf32, #tpu.memory_space<vmem>>, %arg9: memref<16xf32, #tpu.memory_space<vmem>>, %arg10: memref<!tpu.dma_semaphore, #tpu.memory_space<semaphore_mem>>) attributes {dimension_semantics = [#tpu.dimension_semantics<core_parallel>, #tpu.dimension_semantics<subcore_parallel>], iteration_bounds = array<i64: 1, 16>, scalar_prefetch = 0 : i64, scratch_operands = 6 : i64, tpu.core_type = #tpu.core_type<sc_vector_subcore>, window_params = [{transform_indices = #map}, {transform_indices = #map1}, {transform_indices = #map2}]} {
    %jit3A = arith.constant 2 : i32
    %div3A = arith.divsi %arg1, %jit3A : i32
    %sign3A = arith.constant 0 : i32
    %sign3A_0 = arith.cmpi sgt, %arg1, %sign3A : i32
    %sign3A_1 = arith.extui %sign3A_0 : i1 to i32
    %sign3A_2 = arith.constant 0 : i32
    %sign3A_3 = arith.cmpi slt, %arg1, %sign3A_2 : i32
    %sign3A_4 = arith.extui %sign3A_3 : i1 to i32
    %sign3A_5 = arith.subi %sign3A_1, %sign3A_4 : i32
    %sign3A_6 = arith.constant 0 : i32
    %sign3A_7 = arith.cmpi sgt, %jit3A, %sign3A_6 : i32
    %sign3A_8 = arith.extui %sign3A_7 : i1 to i32
    %sign3A_9 = arith.constant 0 : i32
    %sign3A_10 = arith.cmpi slt, %jit3A, %sign3A_9 : i32
    %sign3A_11 = arith.extui %sign3A_10 : i1 to i32
    %sign3A_12 = arith.subi %sign3A_8, %sign3A_11 : i32
    %ne3A = arith.cmpi ne, %sign3A_5, %sign3A_12 : i32
    %rem3A = arith.remsi %arg1, %jit3A : i32
    %ne3A_13 = arith.constant 0 : i32
    %ne3A_14 = arith.cmpi ne, %rem3A, %ne3A_13 : i32
    %and3A = arith.andi %ne3A, %ne3A_14 : i1
    %sub3A = arith.constant 1 : i32
    %sub3A_15 = arith.subi %div3A, %sub3A : i32
    %select_n3A = arith.select %and3A, %sub3A_15, %div3A : i32
    %jit3A_16 = arith.constant 2 : i32
    %eq3A = arith.constant 0 : i32
    %eq3A_17 = arith.cmpi eq, %jit3A_16, %eq3A : i32
    %jit3A_18 = arith.constant 1 : i32
    %select_n3A_19 = arith.select %eq3A_17, %jit3A_18, %jit3A_16 : i32
    %rem3A_20 = arith.remsi %arg1, %select_n3A_19 : i32
    %ne3A_21 = arith.constant 0 : i32
    %ne3A_22 = arith.cmpi ne, %rem3A_20, %ne3A_21 : i32
    %lt3A = arith.constant 0 : i32
    %lt3A_23 = arith.cmpi slt, %rem3A_20, %lt3A : i32
    %lt3A_24 = arith.constant 0 : i32
    %lt3A_25 = arith.cmpi slt, %select_n3A_19, %lt3A_24 : i32
    %ne3A_26 = arith.xori %lt3A_23, %lt3A_25 : i1
    %and3A_27 = arith.andi %ne3A_26, %ne3A_22 : i1
    %add3A = arith.addi %rem3A_20, %select_n3A_19 : i32
    %select_n3A_28 = arith.select %and3A_27, %add3A, %rem3A_20 : i32
    %mul3A = arith.constant 16 : i32
    %mul3A_29 = arith.muli %select_n3A, %mul3A : i32
    "tpu.region"() ({
      %run_scoped3A = tpu.sem_alloc : memref<!tpu.dma_semaphore, #tpu.memory_space<semaphore_mem>>
      %dma_start3A_63 = tpu.memref_slice %arg3[%mul3A_29] : memref<128xi32, #tpu.memory_space<hbm>> -> memref<16xi32, #tpu.memory_space<hbm>>
      %dma_start3A_64 = tpu.memref_slice %arg3[%mul3A_29] : memref<128xi32, #tpu.memory_space<hbm>> -> memref<16xi32, #tpu.memory_space<hbm>>
      tpu.enqueue_dma source(%dma_start3A_64 : memref<16xi32, #tpu.memory_space<hbm>>) target(%arg5 : memref<16xi32, #tpu.memory_space<vmem>>) target_semaphore(%run_scoped3A : memref<!tpu.dma_semaphore, #tpu.memory_space<semaphore_mem>>)
      %dma_wait3A_65 = tpu.memref_slice %arg3[%mul3A_29] : memref<128xi32, #tpu.memory_space<hbm>> -> memref<16xi32, #tpu.memory_space<hbm>>
      %dma_wait3A_66 = tpu.memref_slice %arg3[%mul3A_29] : memref<128xi32, #tpu.memory_space<hbm>> -> memref<16xi32, #tpu.memory_space<hbm>>
      tpu.wait_dma2 semaphore(%run_scoped3A : memref<!tpu.dma_semaphore, #tpu.memory_space<semaphore_mem>>) src(%dma_wait3A_66 : memref<16xi32, #tpu.memory_space<hbm>>) dst(%arg5 : memref<16xi32, #tpu.memory_space<vmem>>)
      tpu.yield
    }) : () -> ()
    %get3A = arith.constant 0 : index
    %get3A_30 = tpu.vector_load %arg5[%get3A] {strides = array<i32>} : memref<16xi32, #tpu.memory_space<vmem>>, vector<16xi32>,
    %iota3A = tpu.iota {dimensions = array<i32: 0>} : vector<16xi32>
    %mul3A_31 = arith.constant 16 : i32
    %mul3A_32 = arith.muli %select_n3A, %mul3A_31 : i32
    %add3A_33 = vector.broadcast %mul3A_32 : i32 to vector<16xi32>
    %add3A_34 = arith.addi %add3A_33, %iota3A : vector<16xi32>
    %shift_right_arithmetic3A = arith.constant 3 : i32
    %shift_right_arithmetic3A_35 = vector.broadcast %shift_right_arithmetic3A : i32 to vector<16xi32>
    %shift_right_arithmetic3A_36 = arith.shrsi %add3A_34, %shift_right_arithmetic3A_35 : vector<16xi32>
    %shift_left3A = arith.constant 12 : i32
    %shift_left3A_37 = vector.broadcast %shift_left3A : i32 to vector<16xi32>
    %shift_left3A_38 = arith.shli %shift_right_arithmetic3A_36, %shift_left3A_37 : vector<16xi32>
    %and3A_39 = arith.constant 7 : i32
    %and3A_40 = vector.broadcast %and3A_39 : i32 to vector<16xi32>
    %and3A_41 = arith.andi %add3A_34, %and3A_40 : vector<16xi32>
    %add3A_42 = arith.addi %shift_left3A_38, %and3A_41 : vector<16xi32>
    %scan3A = arith.constant 0 : i32
    %scan3A_43 = arith.constant 0 : i32
    %scan3A_44 = arith.constant 8 : i32
    %scan3A_45 = arith.addi %scan3A_43, %scan3A_44 : i32
    %scan3A_46 = arith.constant 1 : i32
    %scan3A_47 = scf.for %scan3A_63 = %scan3A_43 to %scan3A_45 step %scan3A_46 iter_args(%scan3A_64 = %scan3A) -> (i32)  : i32 {
      %mul3A_65 = arith.constant 8 : i32
      %mul3A_66 = arith.muli %select_n3A_28, %mul3A_65 : i32
      %add3A_67 = arith.addi %mul3A_66, %scan3A_63 : i32
      %sub3A_68 = arith.constant 16 : i32
      %sub3A_69 = arith.subi %sub3A_68, %add3A_67 : i32
      %shift_right_arithmetic3A_70 = vector.broadcast %sub3A_69 : i32 to vector<16xi32>
      %shift_right_arithmetic3A_71 = arith.shrsi %get3A_30, %shift_right_arithmetic3A_70 : vector<16xi32>
      %shift_left3A_72 = arith.constant 1 : i32
      %shift_left3A_73 = arith.shli %shift_left3A_72, %add3A_67 : i32
      %add3A_74 = vector.broadcast %shift_left3A_73 : i32 to vector<16xi32>
      %add3A_75 = arith.addi %shift_right_arithmetic3A_71, %add3A_74 : vector<16xi32>
      %sub3A_76 = arith.constant 1 : i32
      %sub3A_77 = vector.broadcast %sub3A_76 : i32 to vector<16xi32>
      %sub3A_78 = arith.subi %add3A_75, %sub3A_77 : vector<16xi32>
      %shift_right_arithmetic3A_79 = arith.constant 7 : i32
      %shift_right_arithmetic3A_80 = vector.broadcast %shift_right_arithmetic3A_79 : i32 to vector<16xi32>
      %shift_right_arithmetic3A_81 = arith.shrsi %sub3A_78, %shift_right_arithmetic3A_80 : vector<16xi32>
      %shift_left3A_82 = arith.constant 3 : i32
      %shift_left3A_83 = vector.broadcast %shift_left3A_82 : i32 to vector<16xi32>
      %shift_left3A_84 = arith.shli %shift_right_arithmetic3A_81, %shift_left3A_83 : vector<16xi32>
      %add3A_85 = arith.addi %add3A_42, %shift_left3A_84 : vector<16xi32>
      %mul3A_86 = arith.constant 16 : i32
      %mul3A_87 = arith.muli %mul3A_86, %scan3A_63 : i32
      %swap3A_88 = arith.index_cast %mul3A_87 : i32 to index
      %swap3A_89 = tpu.vector_load %arg6[%swap3A_88] {strides = array<i32>} : memref<128xi32, #tpu.memory_space<vmem>>, vector<16xi32>,
      tpu.vector_store %arg6[%swap3A_88], %add3A_85 {strides = array<i32>} : memref<128xi32, #tpu.memory_space<vmem>>, vector<16xi32>,
      %and3A_90 = arith.constant 127 : i32
      %and3A_91 = vector.broadcast %and3A_90 : i32 to vector<16xi32>
      %and3A_92 = arith.andi %sub3A_78, %and3A_91 : vector<16xi32>
      %mul3A_93 = arith.constant 16 : i32
      %mul3A_94 = arith.muli %mul3A_93, %scan3A_63 : i32
      %swap3A_95 = arith.index_cast %mul3A_94 : i32 to index
      %swap3A_96 = tpu.vector_load %arg7[%swap3A_95] {strides = array<i32>} : memref<128xi32, #tpu.memory_space<vmem>>, vector<16xi32>,
      tpu.vector_store %arg7[%swap3A_95], %and3A_92 {strides = array<i32>} : memref<128xi32, #tpu.memory_space<vmem>>, vector<16xi32>,
      %scan3A_97 = arith.constant 0 : i32
      scf.yield %scan3A_97 : i32
    }
    %scan3A_48 = arith.constant 8 : i32
    %dma_start3A = tpu.memref_reshape %arg2 : memref<16x512x8x128xf32, #tpu.memory_space<hbm>> -> memref<65536x128xf32, #tpu.memory_space<hbm>>
    %dma_start3A_49 = arith.constant 0 : i32
    %dma_start3A_50 = arith.constant 0 : i32
    %dma_start3A_51 = tpu.memref_slice %dma_start3A[%dma_start3A_49, %dma_start3A_50] : memref<65536x128xf32, #tpu.memory_space<hbm>> -> memref<65536x128xf32, #tpu.memory_space<hbm>>
    tpu.enqueue_indirect_dma source(%dma_start3A_51 : memref<65536x128xf32, #tpu.memory_space<hbm>>) target(%arg8 : memref<128x128xf32, #tpu.memory_space<vmem>>) offsets(%arg6 : memref<128xi32, #tpu.memory_space<vmem>>) semaphore(%arg10 : memref<!tpu.dma_semaphore, #tpu.memory_space<semaphore_mem>>)
    %dma_wait3A = tpu.memref_reshape %arg2 : memref<16x512x8x128xf32, #tpu.memory_space<hbm>> -> memref<65536x128xf32, #tpu.memory_space<hbm>>
    %dma_wait3A_52 = arith.constant 0 : i32
    %dma_wait3A_53 = arith.constant 0 : i32
    %dma_wait3A_54 = tpu.memref_slice %dma_wait3A[%dma_wait3A_52, %dma_wait3A_53] : memref<65536x128xf32, #tpu.memory_space<hbm>> -> memref<65536x128xf32, #tpu.memory_space<hbm>>
    tpu.wait_indirect_dma semaphore(%arg10 : memref<!tpu.dma_semaphore, #tpu.memory_space<semaphore_mem>>) src(%dma_wait3A_54 : memref<65536x128xf32, #tpu.memory_space<hbm>>) dst(%arg8 : memref<128x128xf32, #tpu.memory_space<vmem>>)
    %broadcast_in_dim3A = arith.constant 0.000000e+00 : f32
    %broadcast_in_dim3A_55 = vector.broadcast %broadcast_in_dim3A : f32 to vector<16xf32>
    %scan3A_56 = arith.constant 0 : i32
    %scan3A_57 = arith.constant 8 : i32
    %scan3A_58 = arith.addi %scan3A_56, %scan3A_57 : i32
    %scan3A_59 = arith.constant 1 : i32
    %scan3A_60 = scf.for %scan3A_63 = %scan3A_56 to %scan3A_58 step %scan3A_59 iter_args(%scan3A_64 = %broadcast_in_dim3A_55) -> (vector<16xf32>)  : i32 {
      %mul3A_65 = arith.constant 8 : i32
      %mul3A_66 = arith.muli %select_n3A_28, %mul3A_65 : i32
      %add3A_67 = arith.addi %mul3A_66, %scan3A_63 : i32
      %mul3A_68 = arith.constant 16 : i32
      %mul3A_69 = arith.muli %mul3A_68, %scan3A_63 : i32
      %add3A_70 = vector.broadcast %mul3A_69 : i32 to vector<16xi32>
      %add3A_71 = arith.addi %add3A_70, %iota3A : vector<16xi32>
      %mul3A_72 = arith.constant 16 : i32
      %mul3A_73 = arith.muli %mul3A_72, %scan3A_63 : i32
      %get3A_74 = arith.index_cast %mul3A_73 : i32 to index
      %get3A_75 = tpu.vector_load %arg7[%get3A_74] {strides = array<i32>} : memref<128xi32, #tpu.memory_space<vmem>>, vector<16xi32>,
      %gather3A = tpu.vector_load_idx %arg8[%add3A_71, %get3A_75] : memref<128x128xf32, #tpu.memory_space<vmem>>[vector<16xi32>, vector<16xi32>], vector<16xf32>,
      %sub3A_76 = arith.constant 15 : i32
      %sub3A_77 = arith.subi %sub3A_76, %add3A_67 : i32
      %shift_right_arithmetic3A_78 = vector.broadcast %sub3A_77 : i32 to vector<16xi32>
      %shift_right_arithmetic3A_79 = arith.shrsi %get3A_30, %shift_right_arithmetic3A_78 : vector<16xi32>
      %and3A_80 = arith.constant 1 : i32
      %and3A_81 = vector.broadcast %and3A_80 : i32 to vector<16xi32>
      %and3A_82 = arith.andi %shift_right_arithmetic3A_79, %and3A_81 : vector<16xi32>
      %eq3A_83 = arith.constant 1 : i32
      %eq3A_84 = vector.broadcast %eq3A_83 : i32 to vector<16xi32>
      %eq3A_85 = arith.cmpi eq, %and3A_82, %eq3A_84 : vector<16xi32>
      %neg3A = arith.constant 0.000000e+00 : f32
      %neg3A_86 = vector.broadcast %neg3A : f32 to vector<16xf32>
      %neg3A_87 = arith.subf %neg3A_86, %gather3A : vector<16xf32>
      %select_n3A_88 = arith.select %eq3A_85, %gather3A, %neg3A_87 : vector<16xi1>, vector<16xf32>
      %abs3A = math.absf %select_n3A_88 : vector<16xf32>
      %neg3A_89 = arith.constant 0.000000e+00 : f32
      %neg3A_90 = vector.broadcast %neg3A_89 : f32 to vector<16xf32>
      %neg3A_91 = arith.subf %neg3A_90, %abs3A : vector<16xf32>
      %exp3A = math.exp %neg3A_91 : vector<16xf32>
      %add3A_92 = arith.constant 2.000000e+00 : f32
      %add3A_93 = vector.broadcast %add3A_92 : f32 to vector<16xf32>
      %add3A_94 = arith.addf %add3A_93, %exp3A : vector<16xf32>
      %div3A_95 = arith.divf %exp3A, %add3A_94 : vector<16xf32>
      %mul3A_96 = arith.mulf %div3A_95, %div3A_95 : vector<16xf32>
      %mul3A_97 = arith.constant 0.0909090936 : f32
      %mul3A_98 = vector.broadcast %mul3A_97 : f32 to vector<16xf32>
      %mul3A_99 = arith.mulf %mul3A_96, %mul3A_98 : vector<16xf32>
      %add3A_100 = arith.constant 0.111111112 : f32
      %add3A_101 = vector.broadcast %add3A_100 : f32 to vector<16xf32>
      %add3A_102 = arith.addf %add3A_101, %mul3A_99 : vector<16xf32>
      %mul3A_103 = arith.mulf %mul3A_96, %add3A_102 : vector<16xf32>
      %add3A_104 = arith.constant 0.142857149 : f32
      %add3A_105 = vector.broadcast %add3A_104 : f32 to vector<16xf32>
      %add3A_106 = arith.addf %add3A_105, %mul3A_103 : vector<16xf32>
      %mul3A_107 = arith.mulf %mul3A_96, %add3A_106 : vector<16xf32>
      %add3A_108 = arith.constant 2.000000e-01 : f32
      %add3A_109 = vector.broadcast %add3A_108 : f32 to vector<16xf32>
      %add3A_110 = arith.addf %add3A_109, %mul3A_107 : vector<16xf32>
      %mul3A_111 = arith.mulf %mul3A_96, %add3A_110 : vector<16xf32>
      %add3A_112 = arith.constant 0.333333343 : f32
      %add3A_113 = vector.broadcast %add3A_112 : f32 to vector<16xf32>
      %add3A_114 = arith.addf %add3A_113, %mul3A_111 : vector<16xf32>
      %mul3A_115 = arith.mulf %mul3A_96, %add3A_114 : vector<16xf32>
      %add3A_116 = arith.constant 1.000000e+00 : f32
      %add3A_117 = vector.broadcast %add3A_116 : f32 to vector<16xf32>
      %add3A_118 = arith.addf %add3A_117, %mul3A_115 : vector<16xf32>
      %max3A = arith.constant 0.000000e+00 : f32
      %max3A_119 = vector.broadcast %max3A : f32 to vector<16xf32>
      %max3A_120 = arith.maximumf %select_n3A_88, %max3A_119 : vector<16xf32>
      %mul3A_121 = arith.constant 2.000000e+00 : f32
      %mul3A_122 = vector.broadcast %mul3A_121 : f32 to vector<16xf32>
      %mul3A_123 = arith.mulf %mul3A_122, %div3A_95 : vector<16xf32>
      %mul3A_124 = arith.mulf %mul3A_123, %add3A_118 : vector<16xf32>
      %add3A_125 = arith.addf %max3A_120, %mul3A_124 : vector<16xf32>
      %add3A_126 = arith.addf %scan3A_64, %add3A_125 : vector<16xf32>
      scf.yield %add3A_126 : vector<16xf32>
    }
    %scan3A_61 = arith.constant 8 : i32
    %swap3A = arith.constant 0 : index
    %swap3A_62 = tpu.vector_load %arg9[%swap3A] {strides = array<i32>} : memref<16xf32, #tpu.memory_space<vmem>>, vector<16xf32>,
    tpu.vector_store %arg9[%swap3A], %scan3A_60 {strides = array<i32>} : memref<16xf32, #tpu.memory_space<vmem>>, vector<16xf32>,
    "tpu.region"() ({
      %run_scoped3A = tpu.sem_alloc : memref<!tpu.dma_semaphore, #tpu.memory_space<semaphore_mem>>
      %dma_start3A_63 = arith.constant 0 : i32
      %dma_start3A_64 = tpu.memref_slice %arg4[%arg1, %dma_start3A_63] : memref<16x16xf32, #tpu.memory_space<hbm>> -> memref<1x16xf32, #tpu.memory_space<hbm>>
      %dma_start3A_65 = tpu.memref_squeeze %dma_start3A_64 : memref<1x16xf32, #tpu.memory_space<hbm>> -> memref<16xf32, #tpu.memory_space<hbm>>
      %dma_start3A_66 = arith.constant 0 : i32
      %dma_start3A_67 = tpu.memref_slice %arg4[%arg1, %dma_start3A_66] : memref<16x16xf32, #tpu.memory_space<hbm>> -> memref<1x16xf32, #tpu.memory_space<hbm>>
      %dma_start3A_68 = tpu.memref_squeeze %dma_start3A_67 : memref<1x16xf32, #tpu.memory_space<hbm>> -> memref<16xf32, #tpu.memory_space<hbm>>
      tpu.enqueue_dma source(%arg9 : memref<16xf32, #tpu.memory_space<vmem>>) target(%dma_start3A_68 : memref<16xf32, #tpu.memory_space<hbm>>) target_semaphore(%run_scoped3A : memref<!tpu.dma_semaphore, #tpu.memory_space<semaphore_mem>>)
      %dma_wait3A_69 = arith.constant 0 : i32
      %dma_wait3A_70 = tpu.memref_slice %arg4[%arg1, %dma_wait3A_69] : memref<16x16xf32, #tpu.memory_space<hbm>> -> memref<1x16xf32, #tpu.memory_space<hbm>>
      %dma_wait3A_71 = tpu.memref_squeeze %dma_wait3A_70 : memref<1x16xf32, #tpu.memory_space<hbm>> -> memref<16xf32, #tpu.memory_space<hbm>>
      %dma_wait3A_72 = arith.constant 0 : i32
      %dma_wait3A_73 = tpu.memref_slice %arg4[%arg1, %dma_wait3A_72] : memref<16x16xf32, #tpu.memory_space<hbm>> -> memref<1x16xf32, #tpu.memory_space<hbm>>
      %dma_wait3A_74 = tpu.memref_squeeze %dma_wait3A_73 : memref<1x16xf32, #tpu.memory_space<hbm>> -> memref<16xf32, #tpu.memory_space<hbm>>
      tpu.wait_dma2 semaphore(%run_scoped3A : memref<!tpu.dma_semaphore, #tpu.memory_space<semaphore_mem>>) src(%arg9 : memref<16xf32, #tpu.memory_space<vmem>>) dst(%dma_wait3A_74 : memref<16xf32, #tpu.memory_space<hbm>>)
      tpu.yield
    }) : () -> ()
    return
  }
}

module attributes {stable_mosaic.version = 14 : i64} {
  func.func @_reduce_body(%arg0: memref<16x16xf32, #tpu.memory_space<hbm>>, %arg1: memref<1x1xf32, #tpu.memory_space<vmem>>, %arg2: memref<16x16xf32, #tpu.memory_space<vmem>>, %arg3: memref<!tpu.dma_semaphore, #tpu.memory_space<semaphore_mem>>) attributes {dimension_semantics = [], scalar_prefetch = 0 : i64, scratch_operands = 2 : i64, tpu.core_type = #tpu.core_type<tc>} {
    tpu.enqueue_dma source(%arg0 : memref<16x16xf32, #tpu.memory_space<hbm>>) target(%arg2 : memref<16x16xf32, #tpu.memory_space<vmem>>) target_semaphore(%arg3 : memref<!tpu.dma_semaphore, #tpu.memory_space<semaphore_mem>>)
    tpu.wait_dma2 semaphore(%arg3 : memref<!tpu.dma_semaphore, #tpu.memory_space<semaphore_mem>>) src(%arg0 : memref<16x16xf32, #tpu.memory_space<hbm>>) dst(%arg2 : memref<16x16xf32, #tpu.memory_space<vmem>>)
    %get3A = arith.constant 0 : index
    %get3A_0 = arith.constant 0 : index
    %get3A_1 = vector.load %arg2[%get3A, %get3A_0] : memref<16x16xf32, #tpu.memory_space<vmem>>, vector<16x16xf32>
    %reduce_sum3A = vector.shape_cast %get3A_1 : vector<16x16xf32> to vector<1x16x16xf32>
    %reduce_sum3A_2 = arith.constant dense<0.000000e+00> : vector<1xf32>
    %reduce_sum3A_3 = vector.multi_reduction <add>, %reduce_sum3A, %reduce_sum3A_2 [1, 2] : vector<1x16x16xf32> to vector<1xf32>
    %reduce_sum3A_4 = vector.shape_cast %reduce_sum3A_3 : vector<1xf32> to vector<1x1x1xf32>
    %reduce_sum3A_5 = vector.extract %reduce_sum3A_4[0, 0, 0] : f32 from vector<1x1x1xf32>
    %broadcast_in_dim3A = vector.broadcast %reduce_sum3A_5 : f32 to vector<1x1xf32>
    %mul3A = arith.constant 7.812500e-03 : f32
    %mul3A_6 = vector.broadcast %mul3A : f32 to vector<1x1xf32>
    %mul3A_7 = arith.mulf %broadcast_in_dim3A, %mul3A_6 : vector<1x1xf32>
    %swap3A = arith.constant 0 : index
    %swap3A_8 = arith.constant 0 : index
    %swap3A_9 = vector.load %arg1[%swap3A, %swap3A_8] : memref<1x1xf32, #tpu.memory_space<vmem>>, vector<1x1xf32>
    tpu.vector_store %arg1[%swap3A, %swap3A_8], %mul3A_7 {strides = array<i32>} : memref<1x1xf32, #tpu.memory_space<vmem>>, vector<1x1xf32>,
    return
  }
}

</mosaic_0001>

<sc_bundles>
// kernel: kernel.4.cloned.1.call-start
scs
__scs_entry_jumppad:
0x0: {  	(pc) =	sbr.rel $0x88, $3  }
0x1: {  	(tag) =	ssettag $0x0;
	lr =	simm.s32 $0x1  }
0x2: {  	[smem:$0x3F9F] =	sst lr;
	_ =	strace $0xD0000000  }
0x3: {  	_ = 	snop  }
0x4: {  	_ = 	snop  }
0x5: {  	_ = 	snop  }
0x6: {  	_ = 	snop  }
0x7: {  	_ = 	snop  }
__scs_overlays_trampoline_lowered:
0x8: {  	[smem:$0x3FAE] =	sst s0  }
0x9: {  	[smem:$0x3FAF] =	sst s1  }
0xa: {  	[smem:$0x3FB0] =	sst s2  }
0xb: {  	[smem:$0x3FB1] =	sst s3  }
0xc: {  	[smem:$0x3FB2] =	sst s4  }
0xd: {  	[smem:$0x3FB3] =	sst s5  }
0xe: {  	[smem:$0x3FB4] =	sst s6  }
0xf: {  	[smem:$0x3FB5] =	sst s7  }
0x10: {  	[smem:$0x3FB6] =	sst s8  }
0x11: {  	[smem:$0x3FB7] =	sst s9;
	s0 =	simm.s32 @!p0 $0x0  }
0x12: {  	s1 =	sld [smem:$0x3F9D];
	s0 =	simm.s32 @p0 $0x1  }
0x13: {  	[smem:$0x3FB8] =	sst s0;
	s0 =	simm.s32 @!p1 $0x0  }
0x14: {  	s2 =	sld [smem:$0x3F9C];
	s0 =	simm.s32 @p1 $0x1  }
0x15: {  	[smem:$0x3FB9] =	sst s0;
	s0 =	simm.s32 @!p2 $0x0  }
0x16: {  	s3 =	sld [smem:$0x3FDB];
	s0 =	simm.s32 @p2 $0x1  }
0x17: {  	s4 =	simm.s32 $0x1BF5;
	[smem:$0x3FBB] =	sst s0  }
0x18: {  	s0 =	sld [smem:$0x3F9E];
	_ =	swait.ge [sflag:s4], $0x0  }
0x19: {  	s7 =	sld [smem:$0x3F9F]  }
0x1a: {  	s8 =	sadd.s32 $0xFFFFE003, lr  }
0x1b: {  	s9 =	sadd.s32 $0xFFFFFEF7, lr;
	s5 =	simm.s32 $0xFFFFFFFF;
	p2 =	slt.u32 s8, $0xFFFFF086  }
0x1c: {  	p1 =	slt.u32 s9, $0xF7A;
	s5 =	simm.s32 @!p2 $0x0  }
0x1d: {  	s5 =	simm.s32 @p1 $0x1;
	p0 =	seq.s32 s7, s2  }
0x1e: {  	s7 =	smul.u32 @!p0 $0xF7A, s2;
	p2 =	seq.s32 @!p0 s5, $0x0  }
0x1f: {  	s9 =	smul.u32 $0xF7A, s1;
	s8 =	simm.s32 @!p0 $0x1BF5;
	p2 =	por !p2, p0  }
0x20: {  	[sflag:s8] =	ssyncset.s32 @!p0 $0xFFFFF086;
	s6 =	sadd.s32 @!p0 s3, s7;
	s7 =	simm.s32 @!p0 $0x108  }
0x21: {  	s3 =	sadd.s32 s3, s9;
	s6 =	sadd.s32 @!p0 $0x88, s6;
	s7 =	simm.s32 @p2 $0x1082  }
0x22: {  	[simem:s7], [sflag:s8] =	dma.local @!p0 [hbm:s6], $0xF7A  }
0x23: {  	s9 =	sor.u32 $0xD0000000, s2;
	s6 =	simm.s32 $0x108;
	_ =	swait.ge @!p0 [sflag:s8], $0x0  }
0x24: {  	s3 =	sadd.s32 $0x88, s3;
	s6 =	simm.s32 @!p1 $0x1082;
	[sflag:s4] =	ssyncset.s32 $0xFFFFF086  }
0x25: {  	[simem:s6], [sflag:s4] =	dma.local [hbm:s3], $0xF7A  }
0x26: {  	[smem:$0x3F9F] =	sst s1;
	(tag) =	ssettag s2;
	_ =	strace s9  }
0x27: {  	s1 =	sld [smem:$0x3FAF]  }
0x28: {  	s2 =	sld [smem:$0x3FB0]  }
0x29: {  	s4 =	sld [smem:$0x3FB2]  }
0x2a: {  	p0 =	seq.s32 s5, $0x0;
	s5 =	sld [smem:$0x3FB3]  }
0x2b: {  	s6 =	sld [smem:$0x3FB4]  }
0x2c: {  	s7 =	sld [smem:$0x3FB5]  }
0x2d: {  	s3 =	simm.s32 $0x108;
	s8 =	sld [smem:$0x3FB6]  }
0x2e: {  	s3 =	simm.s32 @!p0 $0x1082;
	s9 =	sld [smem:$0x3FB7]  }
0x2f: {  	lr =	sadd.s32 s0, s3;
	s0 =	sld [smem:$0x3FAE]  }
0x30: {  	s3 =	sld [smem:$0x3FB1]  }
0x31: {  	[smem:$0x3FBA] =	sst s10  }
0x32: {  	s10 =	sld [smem:$0x3FB8];
	_ =	sdelay $0x3  }
0x33: {  	p0 =	seq.s32 s10, $0x1;
	s10 =	sld [smem:$0x3FBA];
	_ =	sdelay $0x3  }
0x34: {  	[smem:$0x3FBA] =	sst s10  }
0x35: {  	s10 =	sld [smem:$0x3FB9];
	_ =	sdelay $0x3  }
0x36: {  	p1 =	seq.s32 s10, $0x1;
	s10 =	sld [smem:$0x3FBA];
	_ =	sdelay $0x3  }
0x37: {  	[smem:$0x3FBA] =	sst s10  }
0x38: {  	s10 =	sld [smem:$0x3FBB]  }
0x39: {  	_ = 	snop;
	(pc) =	sbr.ind lr, $3  }
0x3a: {  	_ = 	snop  }
0x3b: {  	_ = 	snop  }
0x3c: {  	p2 =	seq.s32 s10, $0x1;
	s10 =	sld [smem:$0x3FBA]  }
0x3d: {  	_ =	shalt  }
0x3e: {  	_ =	shalt  }
0x3f: {  	_ =	shalt  }
0x40: {  	_ =	shalt  }
0x41: {  	_ =	shalt  }
0x42: {  	_ =	shalt  }
0x43: {  	_ =	shalt  }
0x44: {  	_ =	shalt  }
0x45: {  	_ =	shalt  }
0x46: {  	_ =	shalt  }
0x47: {  	_ =	shalt  }
0x48: {  	_ =	shalt  }
0x49: {  	_ =	shalt  }
0x4a: {  	_ =	shalt  }
0x4b: {  	_ =	shalt  }
0x4c: {  	_ =	shalt  }
0x4d: {  	_ =	shalt  }
0x4e: {  	_ =	shalt  }
0x4f: {  	_ =	shalt  }
0x50: {  	_ =	shalt  }
0x51: {  	_ =	shalt  }
0x52: {  	_ =	shalt  }
0x53: {  	_ =	shalt  }
0x54: {  	_ =	shalt  }
0x55: {  	_ =	shalt  }
0x56: {  	_ =	shalt  }
0x57: {  	_ =	shalt  }
0x58: {  	_ =	shalt  }
0x59: {  	_ =	shalt  }
0x5a: {  	_ =	shalt  }
0x5b: {  	_ =	shalt  }
0x5c: {  	_ =	shalt  }
0x5d: {  	_ =	shalt  }
0x5e: {  	_ =	shalt  }
0x5f: {  	_ =	shalt  }
0x60: {  	_ =	shalt  }
0x61: {  	_ =	shalt  }
0x62: {  	_ =	shalt  }
0x63: {  	_ =	shalt  }
0x64: {  	_ =	shalt  }
0x65: {  	_ =	shalt  }
0x66: {  	_ =	shalt  }
0x67: {  	_ =	shalt  }
0x68: {  	_ =	shalt  }
0x69: {  	_ =	shalt  }
0x6a: {  	_ =	shalt  }
0x6b: {  	_ =	shalt  }
0x6c: {  	_ =	shalt  }
0x6d: {  	_ =	shalt  }
0x6e: {  	_ =	shalt  }
0x6f: {  	_ =	shalt  }
0x70: {  	_ =	shalt  }
0x71: {  	_ =	shalt  }
0x72: {  	_ =	shalt  }
0x73: {  	_ =	shalt  }
0x74: {  	_ =	shalt  }
0x75: {  	_ =	shalt  }
0x76: {  	_ =	shalt  }
0x77: {  	_ =	shalt  }
0x78: {  	_ =	shalt  }
0x79: {  	_ =	shalt  }
0x7a: {  	_ =	shalt  }
0x7b: {  	_ =	shalt  }
0x7c: {  	_ =	shalt  }
0x7d: {  	_ =	shalt  }
0x7e: {  	_ =	shalt  }
0x7f: {  	_ =	shalt  }
0x80: {  	_ =	shalt  }
0x81: {  	_ =	shalt  }
0x82: {  	_ =	shalt  }
0x83: {  	_ =	shalt  }
0x84: {  	_ =	shalt  }
0x85: {  	_ =	shalt  }
0x86: {  	_ =	shalt  }
0x87: {  	_ =	shalt  }
.Lfunc_end0:
.L_simem_size_0:
called_computation_lowered:
.L_overlay_start_0:
0x88: {  	s0 =	sld [smem:$0x3FD9]  }
0x89: {  	s1 =	sld [smem:$0x3FFE];
	_ =	sdelay $0x3  }
0x8a: {  	s0 =	sadd.s32 s1, s0  }
0x8b: {  	[smem:$0x3FC6] =	sst s0  }
0x8c: {  	_ = 	snop  }
0x8d: {  	s0 =	sld [smem:$0x3FC9]  }
0x8e: {  	s16 =	sld [smem:$0x3FC8];
	(tm) =	ssettm $0x1  }
0x8f: {  	s2 =	sld [smem:$0x3FFB];
	_ =	sdelay $0x3  }
0x90: {  	_ =	strace s2  }
0x91: {  	s2 =	sld [smem:$0x3FFC];
	_ =	sdelay $0x3  }
0x92: {  	_ =	strace s2  }
0x93: {  	s2 =	sld [smem:$0x3FFD];
	_ =	sdelay $0x3  }
0x94: {  	_ =	strace s2  }
0x95: {  	_ =	strace $0x8FFFFFFF  }
0x96: {  	s17 =	sld [smem:$0x3FDB];
	_ =	sdelay $0x1  }
0x97: {  	s3 =	simm.s32 $_scs_section_size  }
0x98: {  	s4 =	simm.s32 $_size__tile_overlayer_lowered;
	s5 =	simm.s32 $_tile_overlayer_lowered  }
0x99: {  	s20 =	simm.s32 $0x1BFF;
	s19 =	sshll.u32 s5, $0x1;
	s2 =	sadd.s32 s3, s17  }
0x9a: {  	s6 =	simm.s32 $0x0;
	s18 =	sshll.u32 s4, $0x1;
	s4 =	sadd.s32 s19, s2  }
0x9b: {  	[timem:s6], [sflag:s20] =	dma.local [hbm:s4], s18  }
0x9c: {  	_ =	swait.ge [sflag:s20], s18  }
0x9d: {  	s3 =	ssub.s32 $0x0, s18;
	[sflag:s20] =	ssyncset.done $0x0  }
0x9e: {  	[sflag:s20] =	ssyncadd.s32 s3;
	_ =	sdelay $0x1  }
0x9f: {  	s21 =	simm.s32 $0x1B8B  }
0xa0: {  	_ =	swait.ge [sflag:s21], $0x1  }
0xa1: {  	[sflag:s21] =	ssyncset.done $0x0  }
0xa2: {  	s23 =	simm.s32 $0x1B8E;
	s22 =	sld [smem:$0x3FFE];
	[sflag:s21] =	ssyncadd.s32 $0xFFFFFFFF  }
0xa3: {  	s24 =	simm.s32 $execute0_lowered;
	[smem:$0x3FD2] =	sst s23  }
0xa4: {  	s4 =	sshll.u32 s24, $0x1;
	_ =	strace $0x80000046;
	[dreg:$0x1] =	wrdreg $0xFFFFFFFF  }
0xa5: {  	s25 =	simm.s32 $_size_execute0_lowered;
	s2 =	sadd.s32 s2, s4;
	[dreg:$0x0] =	wrdreg $0x0  }
0xa6: {  	s4 =	sshll.u32 s25, $0x1;
	[dreg:$0x2] =	wrdreg s2  }
0xa7: {  	[dreg:$0x3] =	wrdreg s4  }
0xa8: {  	[dreg:$0x4] =	wrdreg $0xC0  }
0xa9: {  	_ =	task [dreg:s6], $0x5FFFF  }
0xaa: {  	[dreg:$0x1] =	wrdreg $0xFFFFFFFF  }
0xab: {  	[dreg:$0x0] =	wrdreg $0x60  }
0xac: {  	[dreg:$0x2] =	wrdreg s0  }
0xad: {  	[dreg:$0x3] =	wrdreg s16  }
0xae: {  	[dreg:$0x4] =	wrdreg s22  }
0xaf: {  	[dreg:$0x5] =	wrdreg $0x9  }
0xb0: {  	_ =	task.clear_ibuf [dreg:s6], $0x6FFFF;
	_ =	strace $0x90000046  }
0xb1: {  	s26 =	simm.s32 $0x9;
	_ =	strace $0x80000048  }
0xb2: {  	_ =	swait.ge [sflag:s26], $0x1  }
0xb3: {  	[sflag:s26] =	ssyncadd.s32 $0xFFFFFFFF  }
0xb4: {  	_ =	strace $0x90000048  }
0xb5: {  	_ =	sfence  }
0xb6: {  	s28 =	sld [smem:$0x0];
	_ =	sdelay $0x1  }
0xb7: {  	s29 =	srdreg.scid  }
0xb8: {  	s30 =	sshll.u32 s29, $0xD;
	s31 =	sshrl.u32 s29, $0x2  }
0xb9: {  	s1 =	sand.u32 $0x1, s29;
	s2 =	sand.u32 $0x4000, s30;
	s0 =	sadd.s32 s31, s28  }
0xba: {  	s1 =	sor.u32 s2, s1;
	s0 =	sshll.u32 s0, $0x11  }
0xbb: {  	s0 =	sor.u32 s0, s1  }
0xbc: {  	s0 =	sadd.s32 $0x8F2B, s0  }
0xbd: {  	[sflag:s0] =	ssyncadd.remote.s32 $0x1  }
0xbe: {  	_ =	sfence.sel $0xFFFF  }
0xbf: {  	[dreg:$0x0] =	wrdreg $0xFFFFFFFF;
	(pc) =	sbr.abs _section_cstart, $3  }
0xc0: {  	[dreg:$0x1] =	wrdreg $0xFFFFFFFF  }
0xc1: {  	_ =	task.clear_ibuf [dreg:s6], $0x2FFFF;
	_ =	strace $0x9FFFFFFF  }
0xc2: {  	(tm) =	ssettm $0x7FFFFFFF  }
0xc3: {  	_ =	shalt  }
tec
execute0_lowered:
.L_overlay_start_1:
0x0: {  	(tag) =	ssettag $0x1  }
0x1: {  	s5 =	rddreg [dreg:$0x0]  }
0x2: {  	s2 =	rddreg [dreg:$0x1];
	s0 =	stileid.u32  }
0x3: {  	s8 =	rddreg [dreg:$0x2];
	s4 =	sshll.u32 s0, $0x3  }
0x4: {  	s1 =	rddreg [dreg:$0x3];
	s3 =	simm.s32 $0x0;
	s7 =	sand.u32 $0x70, s4  }
0x5: {  	[smem:$0x7FF] =	sst s3;
	s6 =	sshrl.u32 s7, $0x3  }
0x6: {  	s30 =	simm.s32 $0x2;
	_ =	strace $0x80000047;
	s2 =	sadd.s32 s2, s6  }
0x7: {  	[tilespmem:s3], [sflag:$0x2] =	stream.linear.gather [hbm4b:s2+s3], $0x10, $0x38;
	[tilespmem:$0x4200] =	vst v63  }
0x8: {  	_ =	swait.ge [sflag:s30], $0x10  }
0x9: {  	[sflag:s30] =	ssyncset.done $0x0  }
0xa: {  	[sflag:s30] =	ssyncadd.s32 $0xFFFFFFF0  }
0xb: {  	s4 =	sand.u32 $0x8, s4;
	s6 =	simm.s32 $0x1;
	v0 =	vld [tilespmem:$0x0]  }
0xc: {  	v1 =	vlaneseq.u32;
	s31 =	sshll.u32 s6, s4  }
0xd: {  	v3 =	vmul.u32 $0x200, v1;
	v2 =	vmov s7;
	v4 =	vmov s31  }
0xe: {  	v2 =	vshll.u32 v2, $0x9;
	v4 =	vadd.s32 $0xFFFFFFFF, v4  }
0xf: {  	s7 =	ssub.s32 $0x10, s4;
	v2 =	vor.u32 v3, v2;
	v3 =	vbroadcast v4, $0x0  }
0x10: {  	v1 =	vand.u32 $0x7, v1;
	v2 =	vand.u32 $0xF000, v2;
	v63 =	vshra.s32 v0, s7  }
0x11: {  	s9 =	sadd.s32 $0x1, s4;
	s2 =	sadd.s32 $0x600, s8;
	s8 =	simm.s32 $0x40;
	v1 =	vor.u32 v1, v2;
	v2 =	vadd.s32 v63, v3  }
.LBB2_1:
0x12: {  	s10 =	sshll.u32 s6, s9  }
0x13: {  	p0 =	sne.s32 s8, $0x1C0;
	v3 =	vshra.s32 v2, $0x4;
	v2 =	vand.u32 $0x7F, v2;
	s11 =	smov.u32 s8;
	s8 =	sadd.s32 $0x40, s8  }
.Ltmp0:
0x14: {  	v4 =	vmov s10;
	v3 =	vand.u32 $0xFFFFFFF8, v3;
	(pc) =	sbr.rel @p0 .LBB2_1-.Ltmp0, $4  }
0x15: {  	s10 =	sshra.s32 s3, $0x2;
	s3 =	smov.u32 s11;
	v4 =	vadd.s32 $0xFFFFFFFF, v4;
	v3 =	vadd.s32 v3, v1  }
0x16: {  	s7 =	sadd.s32 $0xFFFFFFFF, s7;
	v4 =	vbroadcast v4, $0x0;
	[tilespmem:s10+$0x80] =	vst v3  }
0x17: {  	v3 =	vshra.s32 v0, s7;
	[tilespmem:s10+$0x100] =	vst v2  }
0x18: {  	s9 =	sadd.s32 $0x1, s9;
	v2 =	vadd.s32 v3, v4  }
0x19: {  	v3 =	vshra.s32 v2, $0x4  }
0x1a: {  	s3 =	sshra.s32 s3, $0x2;
	v2 =	vand.u32 $0x7F, v2;
	v3 =	vand.u32 $0xFFFFFFF8, v3  }
0x1b: {  	[tilespmem:s3+$0x100] =	vst v2;
	v1 =	vadd.s32 v3, v1  }
0x1c: {  	s6 =	simm.s32 $0x80;
	s19 =	simm.s32 $0x1;
	[tilespmem:s3+$0x80] =	vst v1;
	s3 =	simm.s32 $0x180  }
0x1d: {  	[tilespmem:s3], [sflag:$0x1] =	stream.indirect.gather [hbm4b:s5+s6], $0x80, s6, s6, $0xb8;
	[tilespmem:$0x4200] =	vst v63  }
0x1e: {  	_ =	swait.ge [sflag:s19], $0x4000  }
0x1f: {  	[sflag:s19] =	ssyncset.done $0x0  }
0x20: {  	s20 =	simm.s32 $0x100;
	[sflag:s19] =	ssyncadd.s32 $0xFFFFC000  }
0x21: {  	v1 =	vld [tilespmem:s20+$0x0];
	_ =	sdelay $0x1  }
0x22: {  	s21 =	simm.s32 $0x0;
	v2 =	vlaneseq.u32  }
0x23: {  	v5 =	vmul.u32 $0x80, v2;
	v2 =	vmov s21  }
0x24: {  	v2 =	vshll.u32 v2, $0x7  }
0x25: {  	v2 =	vor.u32 v5, v2;
	v3 =	vand.u32 $0xFFFFFF80, v1  }
0x26: {  	v1 =	vand.u32 $0x7F, v1;
	v2 =	vadd.s32 v2, v3  }
0x27: {  	v1 =	vor.u32 v1, v2;
	_ =	sdelay $0x4  }
0x28: {  	s22 =	simm.s32 $0x110;
	v1 =	vld.idx.msk [tilespmem:v1+s3+$0x0], $0xffff  }
0x29: {  	s4 =	sxor.u32 $0xF, s4;
	v4 =	vimm.s32 $0x1;
	v2 =	vld [tilespmem:s22+$0x0]  }
0x2a: {  	v3 =	vshll.u32 v4, s4  }
0x2b: {  	s23 =	simm.s32 $0x10;
	v3 =	vbroadcast v3, $0x0  }
0x2c: {  	v6 =	vmov s23  }
0x2d: {  	v6 =	vshll.u32 v6, $0x7;
	v3 =	vand.u32 v0, v3;
	v7 =	vsub.f32 $0.0e+00, v1  }
0x2e: {  	v6 =	vor.u32 v5, v6;
	vm0 =	veq.s32 v3, $0x0;
	v8 =	vand.u32 $0xFFFFFF80, v2  }
0x2f: {  	v3 =	vand.u32 $0x7F, v2;
	v6 =	vadd.s32 v6, v8;
	v2 =	vsel vm0, v7, v1  }
0x30: {  	v1 =	vor.u32 v3, v6;
	v3 =	vand.u32 $0x7FFFFFFF, v2  }
0x31: {  	v3 =	vsub.f32 $0.0e+00, v3;
	_ =	sdelay $0x1  }
0x32: {  	v3 =	vmul.f32 $1.442695020e+00, v3;
	_ =	sdelay $0x1  }
0x33: {  	s24 =	simm.s32 $0x120;
	v1 =	vld.idx.msk [tilespmem:v1+s3+$0x0], $0xffff;
	(erf) = vpow2.f32 v3  }
0x34: {  	s4 =	sadd.s32 $0xFFFFFFFF, s4;
	v3 =	vld [tilespmem:s24+$0x0]  }
0x35: {  	v6 =	vshll.u32 v4, s4  }
0x36: {  	s25 =	simm.s32 $0x20;
	v6 =	vbroadcast v6, $0x0  }
0x37: {  	v7 =	vmov s25  }
0x38: {  	v7 =	vshll.u32 v7, $0x7;
	v6 =	vand.u32 v0, v6;
	v8 =	vsub.f32 $0.0e+00, v1  }
0x39: {  	v7 =	vor.u32 v5, v7;
	vm13 =	veq.s32 v6, $0x0;
	v9 =	vand.u32 $0xFFFFFF80, v3  }
0x3a: {  	v3 =	vand.u32 $0x7F, v3;
	v6 =	vadd.s32 v7, v9;
	v1 =	vsel vm13, v8, v1  }
0x3b: {  	v3 =	vor.u32 v3, v6;
	v6 =	vand.u32 $0x7FFFFFFF, v1  }
0x3c: {  	v6 =	vsub.f32 $0.0e+00, v6;
	v7 =	vpop (erf)  }
0x3d: {  	v8 =	vadd.f32 $2.000000000e+00, v7  }
0x3e: {  	v6 =	vmul.f32 $1.442695020e+00, v6  }
0x3f: {  	s26 =	simm.s32 $0x130;
	(erf) = vrcp.f32 v8  }
0x40: {  	s4 =	sadd.s32 $0xFFFFFFFF, s4;
	(erf) = vpow2.f32 v6;
	v6 =	vld [tilespmem:s26+$0x0]  }
0x41: {  	v3 =	vld.idx.msk [tilespmem:v3+s3+$0x0], $0xffff;
	v8 =	vshll.u32 v4, s4  }
0x42: {  	s28 =	simm.s32 $0x30;
	v8 =	vbroadcast v8, $0x0  }
0x43: {  	v9 =	vmov s28  }
0x44: {  	v9 =	vshll.u32 v9, $0x7;
	v8 =	vand.u32 v0, v8  }
0x45: {  	v9 =	vor.u32 v5, v9;
	vm14 =	veq.s32 v8, $0x0;
	v11 =	vand.u32 $0xFFFFFF80, v6  }
0x46: {  	v10 =	vsub.f32 $0.0e+00, v3;
	v6 =	vand.u32 $0x7F, v6;
	v8 =	vadd.s32 v9, v11  }
0x47: {  	v6 =	vor.u32 v6, v8  }
0x48: {  	v3 =	vsel vm14, v10, v3  }
0x49: {  	v8 =	vand.u32 $0x7FFFFFFF, v3;
	v9 =	vpop (erf)  }
0x4a: {  	v8 =	vsub.f32 $0.0e+00, v8;
	v10 =	vpop (erf);
	v7 =	vmul.f32 v9, v7  }
0x4b: {  	v11 =	vadd.f32 $2.000000000e+00, v10  }
0x4c: {  	s29 =	simm.s32 $0x140;
	v8 =	vmul.f32 $1.442695020e+00, v8;
	v9 =	vmul.f32 v7, v7;
	v6 =	vld.idx.msk [tilespmem:v6+s3+$0x0], $0xffff  }
0x4d: {  	s4 =	sadd.s32 $0xFFFFFFFF, s4;
	(erf) = vrcp.f32 v11;
	v11 =	vld [tilespmem:s29+$0x0]  }
0x4e: {  	s30 =	simm.s32 $0x40;
	v12 =	vshll.u32 v4, s4;
	(erf) = vpow2.f32 v8;
	v8 =	vmul.f32 $9.090909360e-02, v9  }
0x4f: {  	v13 =	vmov s30;
	v12 =	vbroadcast v12, $0x0  }
0x50: {  	v13 =	vshll.u32 v13, $0x7;
	v8 =	vadd.f32 $1.111111120e-01, v8  }
0x51: {  	v13 =	vor.u32 v5, v13;
	v12 =	vand.u32 v0, v12;
	v14 =	vsub.f32 $0.0e+00, v6  }
0x52: {  	vm15 =	veq.s32 v12, $0x0;
	v8 =	vmul.f32 v8, v9;
	v15 =	vand.u32 $0xFFFFFF80, v11  }
0x53: {  	v11 =	vand.u32 $0x7F, v11;
	v12 =	vadd.s32 v13, v15;
	v6 =	vsel vm15, v14, v6  }
0x54: {  	v8 =	vadd.f32 $1.428571490e-01, v8;
	v14 =	vor.u32 v11, v12;
	v11 =	vand.u32 $0x7FFFFFFF, v6;
	_ =	sdelay $0x1  }
0x55: {  	v12 =	vpop (erf);
	v8 =	vmul.f32 v8, v9  }
0x56: {  	v13 =	vsub.f32 $0.0e+00, v11;
	v10 =	vmul.f32 v12, v10;
	v11 =	vpop (erf)  }
0x57: {  	s31 =	simm.s32 $0x50;
	s5 =	simm.s32 $0x150;
	v18 =	vadd.f32 $2.000000030e-01, v8;
	v16 =	vadd.f32 $2.000000000e+00, v11  }
0x58: {  	v17 =	vmov s31;
	v15 =	vld [tilespmem:s5+$0x0];
	v19 =	vmul.f32 $1.442695020e+00, v13;
	v12 =	vmul.f32 v10, v10  }
0x59: {  	s4 =	sadd.s32 $0xFFFFFFFF, s4;
	v8 =	vimm.f32 $0.0e+00;
	v14 =	vld.idx.msk [tilespmem:v14+s3+$0x0], $0xffff;
	v13 =	vmul.f32 v18, v9;
	(erf) = vrcp.f32 v16  }
0x5a: {  	s6 =	simm.s32 $0x60;
	v18 =	vshll.u32 v4, s4;
	v16 =	vmul.f32 $9.090909360e-02, v12;
	(erf) = vpow2.f32 v19  }
.LBB2_3:
0x5b: {  	p0 =	sne.s32 s6, $0x70;
	v17 =	vshll.u32 v17, $0x7;
	v18 =	vbroadcast v18, $0x0;
	v13 =	vadd.f32 $3.333333430e-01, v13  }
0x5c: {  	v17 =	vor.u32 v5, v17;
	v16 =	vadd.f32 $1.111111120e-01, v16  }
0x5d: {  	v19 =	vand.u32 $0x7F, v15;
	v18 =	vand.u32 v0, v18;
	v13 =	vmul.f32 v13, v9;
	v9 =	vmovc v12  }
0x5e: {  	v12 =	vand.u32 $0xFFFFFF80, v15;
	v15 =	vsub.f32 $0.0e+00, v14;
	v16 =	vmul.f32 v16, v9  }
0x5f: {  	v12 =	vadd.s32 v17, v12;
	v17 =	vadd.f32 v7, v7;
	v7 =	vmovc v10;
	v13 =	vadd.f32 $1.000000000e+00, v13  }
0x60: {  	vm0 =	veq.s32 v18, $0x0;
	v12 =	vor.u32 v19, v12;
	v10 =	vadd.f32 $1.428571490e-01, v16  }
0x61: {  	v16 =	vsel vm0, v15, v14;
	v13 =	vmul.f32 v13, v17  }
0x62: {  	v21 =	vmax.f32 v2, $0.0e+00;
	v14 =	vand.u32 $0x7FFFFFFF, v16;
	v15 =	vpop (erf);
	v17 =	vmul.f32 v10, v9  }
.Ltmp1:
0x63: {  	s5 =	sadd.s32 $0x10, s5;
	v18 =	vsub.f32 $0.0e+00, v14;
	v10 =	vmul.f32 v15, v11;
	v11 =	vpop (erf);
	v13 =	vadd.f32 v13, v21;
	(pc) =	sbr.rel @p0 .LBB2_3-.Ltmp1, $4  }
0x64: {  	v2 =	vmovc v1;
	v1 =	vmovc v3;
	v3 =	vmov v6;
	v15 =	vld [tilespmem:s5+$0x0];
	v19 =	vadd.f32 $2.000000000e+00, v11;
	v20 =	vadd.f32 $2.000000030e-01, v17  }
0x65: {  	v6 =	vmovc v16;
	v21 =	vmul.f32 $1.442695020e+00, v18;
	v14 =	vld.idx.msk [tilespmem:v12+s3+$0x0], $0xffff;
	v12 =	vmul.f32 v10, v10;
	v8 =	vadd.f32 v13, v8  }
0x66: {  	s4 =	sadd.s32 $0xFFFFFFFF, s4;
	v17 =	vmov s6;
	(erf) = vrcp.f32 v19;
	v13 =	vmul.f32 v20, v9  }
0x67: {  	s6 =	sadd.s32 $0x10, s6;
	v18 =	vshll.u32 v4, s4;
	(erf) = vpow2.f32 v21;
	v16 =	vmul.f32 $9.090909360e-02, v12  }
0x68: {  	_ =	sdelay $0x1  }
0x69: {  	v18 =	vbroadcast v18, $0x0;
	_ =	sdelay $0x1  }
0x6a: {  	v17 =	vshll.u32 v17, $0x7;
	v18 =	vand.u32 v0, v18;
	v19 =	vsub.f32 $0.0e+00, v14  }
0x6b: {  	v5 =	vor.u32 v5, v17;
	v27 =	vand.u32 $0xFFFFFF80, v15;
	vm0 =	veq.s32 v18, $0x0  }
0x6c: {  	v28 =	vand.u32 $0x7F, v15;
	v5 =	vadd.s32 v5, v27;
	v14 =	vsel vm0, v19, v14  }
0x6d: {  	v5 =	vor.u32 v28, v5;
	v29 =	vand.u32 $0x7FFFFFFF, v14;
	v30 =	vpop (erf)  }
0x6e: {  	v15 =	vsub.f32 $0.0e+00, v29;
	v31 =	vpop (erf)  }
0x6f: {  	v32 =	vadd.f32 $2.000000000e+00, v31  }
0x70: {  	v15 =	vmul.f32 $1.442695020e+00, v15  }
0x71: {  	(erf) = vrcp.f32 v32  }
0x72: {  	v5 =	vld.idx.msk [tilespmem:v5+s3+$0x0], $0xffff;
	(erf) = vpow2.f32 v15  }
0x73: {  	s26 =	sadd.s32 $0xFFFFFFFF, s4  }
0x74: {  	v4 =	vshll.u32 v4, s26  }
0x75: {  	v4 =	vbroadcast v4, $0x0;
	_ =	sdelay $0x1  }
0x76: {  	v33 =	vand.u32 v0, v4;
	v34 =	vsub.f32 $0.0e+00, v5  }
0x77: {  	vm15 =	veq.s32 v33, $0x0  }
0x78: {  	v0 =	vsel vm15, v34, v5  }
0x79: {  	v4 =	vand.u32 $0x7FFFFFFF, v0;
	v35 =	vpop (erf)  }
0x7a: {  	v4 =	vsub.f32 $0.0e+00, v4;
	v15 =	vpop (erf)  }
0x7b: {  	v36 =	vadd.f32 $2.000000000e+00, v15  }
0x7c: {  	v4 =	vmul.f32 $1.442695020e+00, v4  }
0x7d: {  	(erf) = vrcp.f32 v36  }
0x7e: {  	(erf) = vpow2.f32 v4;
	_ =	sdelay $0x7  }
0x7f: {  	v37 =	vpop (erf)  }
0x80: {  	v38 =	vpop (erf)  }
0x81: {  	v20 =	vadd.f32 $2.000000000e+00, v38;
	_ =	sdelay $0x1  }
0x82: {  	(erf) = vrcp.f32 v20;
	_ =	sdelay $0x1  }
0x83: {  	v16 =	vadd.f32 $1.111111120e-01, v16  }
0x84: {  	v11 =	vmul.f32 v30, v11  }
0x85: {  	v16 =	vmul.f32 v16, v12  }
0x86: {  	v17 =	vmul.f32 v11, v11;
	v5 =	vmul.f32 v35, v31  }
0x87: {  	v13 =	vadd.f32 $3.333333430e-01, v13  }
0x88: {  	v16 =	vadd.f32 $1.428571490e-01, v16;
	v39 =	vmul.f32 $9.090909360e-02, v17;
	v40 =	vmul.f32 v5, v5  }
0x89: {  	v7 =	vadd.f32 v7, v7;
	v9 =	vmul.f32 v13, v9;
	v4 =	vmul.f32 v37, v15  }
0x8a: {  	v16 =	vmul.f32 v16, v12;
	v42 =	vadd.f32 $1.111111120e-01, v39;
	v43 =	vmul.f32 $9.090909360e-02, v40;
	v44 =	vpop (erf)  }
0x8b: {  	v2 =	vmax.f32 v2, $0.0e+00;
	v21 =	vmul.f32 v4, v4;
	v18 =	vmul.f32 v44, v38  }
0x8c: {  	v41 =	vadd.f32 $2.000000030e-01, v16;
	v16 =	vadd.f32 $1.111111120e-01, v43;
	v15 =	vmul.f32 v42, v17  }
0x8d: {  	v10 =	vadd.f32 v10, v10;
	v45 =	vmul.f32 $9.090909360e-02, v21;
	v22 =	vmul.f32 v18, v18  }
0x8e: {  	v9 =	vadd.f32 $1.000000000e+00, v9;
	v13 =	vmul.f32 v41, v12;
	v16 =	vmul.f32 v16, v40  }
0x8f: {  	v15 =	vadd.f32 $1.428571490e-01, v15;
	v19 =	vadd.f32 $1.111111120e-01, v45;
	v23 =	vmul.f32 $9.090909360e-02, v22  }
0x90: {  	v7 =	vmul.f32 v9, v7;
	v13 =	vadd.f32 $3.333333430e-01, v13;
	v47 =	vadd.f32 $1.428571490e-01, v16  }
0x91: {  	v46 =	vmul.f32 v15, v17;
	v49 =	vmul.f32 v19, v21;
	v50 =	vadd.f32 $1.111111120e-01, v23  }
0x92: {  	v2 =	vadd.f32 v7, v2;
	v48 =	vmul.f32 v13, v12;
	v15 =	vmul.f32 v47, v40  }
0x93: {  	v9 =	vadd.f32 $2.000000030e-01, v46;
	v51 =	vadd.f32 $1.428571490e-01, v49;
	v52 =	vmul.f32 v50, v22  }
0x94: {  	v1 =	vmax.f32 v1, $0.0e+00;
	v12 =	vadd.f32 $1.000000000e+00, v48;
	v15 =	vadd.f32 $2.000000030e-01, v15  }
0x95: {  	v9 =	vmul.f32 v9, v17;
	v7 =	vmul.f32 v51, v21;
	v13 =	vadd.f32 $1.428571490e-01, v52  }
0x96: {  	v2 =	vadd.f32 v2, v8;
	v10 =	vmul.f32 v12, v10;
	v54 =	vmul.f32 v15, v40  }
0x97: {  	v53 =	vadd.f32 $3.333333430e-01, v9;
	v7 =	vadd.f32 $2.000000030e-01, v7;
	v55 =	vmul.f32 v13, v22  }
0x98: {  	v1 =	vadd.f32 v10, v1;
	v9 =	vadd.f32 $3.333333430e-01, v54  }
0x99: {  	v8 =	vmul.f32 v53, v17;
	v7 =	vmul.f32 v7, v21;
	v56 =	vadd.f32 $2.000000030e-01, v55  }
0x9a: {  	v11 =	vadd.f32 v11, v11;
	v1 =	vadd.f32 v1, v2;
	v9 =	vmul.f32 v9, v40  }
0x9b: {  	v8 =	vadd.f32 $1.000000000e+00, v8;
	v57 =	vadd.f32 $3.333333430e-01, v7;
	v58 =	vmul.f32 v56, v22  }
0x9c: {  	v3 =	vmax.f32 v3, $0.0e+00;
	v5 =	vadd.f32 v5, v5;
	v9 =	vadd.f32 $1.000000000e+00, v9  }
0x9d: {  	v8 =	vmul.f32 v8, v11;
	v2 =	vmul.f32 v57, v21;
	v7 =	vadd.f32 $3.333333430e-01, v58  }
0x9e: {  	v6 =	vmax.f32 v6, $0.0e+00;
	v4 =	vadd.f32 v4, v4;
	v5 =	vmul.f32 v9, v5  }
0x9f: {  	v3 =	vadd.f32 v8, v3;
	v2 =	vadd.f32 $1.000000000e+00, v2;
	v7 =	vmul.f32 v7, v22  }
0xa0: {  	v61 =	vadd.f32 v18, v18;
	v59 =	vadd.f32 v5, v6  }
0xa1: {  	v1 =	vadd.f32 v3, v1;
	v2 =	vmul.f32 v2, v4;
	v60 =	vadd.f32 $1.000000000e+00, v7  }
0xa2: {  	v62 =	vmax.f32 v14, $0.0e+00  }
0xa3: {  	v1 =	vadd.f32 v59, v1;
	v2 =	vadd.f32 v2, v62;
	v63 =	vmul.f32 v60, v61  }
0xa4: {  	v0 =	vmax.f32 v0, $0.0e+00  }
0xa5: {  	v1 =	vadd.f32 v2, v1;
	v0 =	vadd.f32 v63, v0;
	_ =	sdelay $0x1  }
0xa6: {  	v0 =	vadd.f32 v0, v1  }
0xa7: {  	s28 =	sshll.u32 s0, $0x4;
	s29 =	simm.s32 $0x0  }
0xa8: {  	s30 =	simm.s32 $0x4180;
	s31 =	simm.s32 $0x2;
	s2 =	sadd.s32 s2, s28;
	[tilespmem:$0x4180] =	vst v0  }
0xa9: {  	[hbm4b:s2+s29] =	stream.linear.scatter [tilespmem:s30], [sflag:$0x2], $0x80, $0x38;
	[tilespmem:$0x4200] =	vst v63  }
0xaa: {  	_ =	swait.ge [sflag:s31], $0x80  }
0xab: {  	[sflag:s31] =	ssyncset.done $0x0  }
0xac: {  	[sflag:s31] =	ssyncadd.s32 $0xFFFFFF80  }
0xad: {  	_ =	sfence.sel $0x180000  }
0xae: {  	[bflag:$0x0] =	sbarrier.arrive $0xFFFF  }
0xaf: {  	p0 =	sne.s32 s0, $0x0;
	_ =	strace $0x90000047  }
0xb0: {  	s0 =	sadd.s32 @!p0 $0x100000, s1;
	[bflag:$0x2] =	sbarrier.arrive $0xFFFF  }
0xb1: {  	[sflag:s0] =	ssyncadd.tile.s32 @!p0 $0x1;
	_ =	shalt  }
.Lfunc_end2:
_tile_overlayer_lowered:
.L_overlay_start_2:
0xb2: {  	(tag) =	ssettag $0x2  }
0xb3: {  	s0 =	rddreg [dreg:$0x0];
	s2 =	stileid.u32  }
0xb4: {  	s1 =	rddreg [dreg:$0x1];
	p0 =	sne.s32 s2, $0x0  }
0xb5: {  	s3 =	rddreg [dreg:$0x2];
	[bflag:$0x3] =	sbarrier.arrive $0xFFFF;
	s2 =	simm.s32 @!p0 $0x1C02  }
0xb6: {  	[timem:s3], [sflag:s2] =	dma.local @!p0 [hbm:s0], s1  }
0xb7: {  	s0 =	simm.s32 @!p0 $0x2  }
0xb8: {  	_ =	swait.ge @!p0 [sflag:s0], s1  }
0xb9: {  	s1 =	ssub.s32 @!p0 $0x0, s1;
	[sflag:s0] =	ssyncset.done @!p0 $0x0  }
0xba: {  	[sflag:s0] =	ssyncadd.s32 @!p0 s1  }
0xbb: {  	[bflag:$0x3] =	sbarrier.arrive $0xFFFF  }
0xbc: {  	_ =	shalt  }

</sc_bundles>
